<compile_context>
chip_gen: v7x
topology: tpu7x:2x2x1
jax: 0.10.2.dev20260603
libtpu: 0.0.44.dev20260713+nightly
codegen_flags: <defaults>
</compile_context>

<pallas_src>
import functools

import jax
import jax.numpy as jnp
from jax import lax
from jax.experimental import pallas as pl
from jax.experimental.pallas import tpu as pltpu
from jax.experimental.pallas import tpu_sc as plsc

_TABLE_SIZE = 524288
_NUM_LEVELS = 16
_MIN_RES = 16
_MAX_RES = 2048
_PRIME = 2654435761


def _scalings():
    levels = jnp.arange(_NUM_LEVELS)
    growth_factor = jnp.exp(
        (jnp.log(jnp.float32(_MAX_RES)) - jnp.log(jnp.float32(_MIN_RES)))
        / (_NUM_LEVELS - 1)
    )
    return jnp.floor(_MIN_RES * growth_factor**levels).astype(jnp.float32)


_MESH = plsc.VectorSubcoreMesh(
    core_axis_name="c", subcore_axis_name="s", num_cores=1, num_subcores=4
)


@functools.partial(
    pl.kernel,
    out_type=jax.ShapeDtypeStruct((64,), jnp.float32),
    mesh=_MESH,
    scratch_types=[
        pltpu.VMEM((1, 16), jnp.float32),
        pltpu.VMEM((6, 16), jnp.float32),
        pltpu.VMEM((64,), jnp.int32),
        pltpu.VMEM((64,), jnp.float32),
        pltpu.VMEM((16,), jnp.float32),
        pltpu.SemaphoreType.DMA,
    ],
)
def _encode(x_hbm, sc_hbm, ht_hbm, out_hbm, x_v, sc_v, idx_v, vals_v, out_v, sem):
    sid = lax.axis_index("s")

    @pl.when(sid < 4)
    def _():
        cpx = pltpu.async_copy(x_hbm, x_v.at[0, pl.ds(0, 2)], sem)
        cps = pltpu.async_copy(sc_hbm, sc_v, sem)
        cpx.wait()
        cps.wait()
        xrow = x_v[0, :]
        x0 = jnp.full((16,), xrow[0], jnp.float32)
        x1 = jnp.full((16,), xrow[1], jnp.float32)
        s0 = sc_v[4, :]
        s1 = sc_v[5, :]
        scp = sc_v[sid, :]

        def floor_ceil_frac(scaled):
            f = scaled.astype(jnp.int32)
            frac = scaled - f.astype(jnp.float32)
            c = f + jnp.sign(frac).astype(jnp.int32)
            return f, c, frac

        lane = lax.iota(jnp.int32, 16)
        dphys = (lane & 1) * 128
        ib = ((lane >> 1) & 1).astype(jnp.float32)
        xsel = x0 * (jnp.float32(1.0) - ib) + x1 * ib
        lvl_off = ((sid * 4 + (lane >> 2)) * _TABLE_SIZE).astype(jnp.uint32)

        def hsh(a, b):
            au = a.astype(jnp.uint32)
            bu = b.astype(jnp.uint32)
            h = (au ^ (bu * jnp.uint32(_PRIME))) & jnp.uint32(_TABLE_SIZE - 1)
            hq = (h + lvl_off).astype(jnp.int32)
            return ((hq >> 7) << 8) + dphys + (hq & 127)

        f0, c0, _ = floor_ceil_frac(xsel * s0)
        f1, c1, _ = floor_ceil_frac(xsel * s1)
        _, c_all, _ = floor_ceil_frac(xsel * scp)

        hs = (hsh(c_all, c_all), hsh(c0, f1), hsh(f0, c1), hsh(f0, f1))
        for t in range(4):
            idx_v[pl.ds(t * 16, 16)] = hs[t]

        cp = pltpu.async_copy(ht_hbm.at[idx_v], vals_v, sem)

        _, _, pox = floor_ceil_frac(x0 * scp)
        _, _, poy = floor_ceil_frac(x1 * scp)

        cp.wait()

        one = jnp.float32(1.0)
        fv = [vals_v[pl.ds(t * 16, 16)] for t in range(4)]
        f03 = fv[0] * pox + fv[3] * (one - pox)
        f12 = fv[1] * pox + fv[2] * (one - pox)
        out_v[...] = f03 * poy + f12 * (one - poy)

        pltpu.sync_copy(out_v, out_hbm.at[pl.ds(sid * 16, 16)])


def kernel(x, hash_table):
    scalings = _scalings()
    sconst = jnp.concatenate(
        [
            jnp.repeat(scalings, 4).reshape(4, 16),
            jnp.broadcast_to(scalings[0], (1, 16)),
            jnp.broadcast_to(scalings[1], (1, 16)),
        ]
    )
    flat = jnp.transpose(hash_table.reshape(2, 65536, 128), (1, 0, 2)).reshape(-1)
    return _encode(x.reshape(2), sconst, flat)

# --- scband reference (transcript-rebuilt; emitter-appended) ---
"""Pipeline reference for scband-multi-resolution-hash-encoding2-d-78975858639608 (READ-ONLY COPY).

The authoritative reference and input builder live on the scoring server;
editing this copy changes nothing except your own understanding.
"""

import jax, jax.numpy as jnp
import numpy as np

TABLE_SIZE = 524288
NUM_LEVELS = 16
MIN_RESOLUTION = 16
MAX_RESOLUTION = 2048
FEATURE_DIM = 2
SPATIAL_DIM = 2


def _level_constants():
    levels = jnp.arange(NUM_LEVELS)
    hash_offset = levels * TABLE_SIZE
    if NUM_LEVELS > 1:
        growth_factor = jnp.exp((jnp.log(jnp.float32(MAX_RESOLUTION)) - jnp.log(jnp.float32(MIN_RESOLUTION))) / (NUM_LEVELS - 1))
    else:
        growth_factor = jnp.float32(1.0)
    scalings = jnp.floor(MIN_RESOLUTION * growth_factor ** levels)
    return scalings.astype(jnp.float32), hash_offset


def hash_function(vertex, table_size, hash_offset):
    # instant-ngp style spatial hash: xor of coordinate * large primes, mod table size,
    # offset into the per-level slice of the concatenated table.
    primes = jnp.array([1, 2654435761], dtype=jnp.uint32)
    pre_xor = vertex.astype(jnp.uint32) * primes
    h = jnp.bitwise_xor(pre_xor[..., 0], pre_xor[..., 1])
    h = h % jnp.uint32(table_size)
    return (h + hash_offset.astype(jnp.uint32)).astype(jnp.int32)


def setup_inputs(seed: int = 0):
    key = jax.random.key(seed)
    kx, kt = jax.random.split(key)
    x = jax.random.uniform(kx, (2, 1), dtype=jnp.float32)
    # learned hash table, uniform(scale=1e-4) like nn.initializers.uniform;
    # laid out (feature_dim, table_size*num_levels) so hash_table[:, hashed] is valid.
    hash_table = jax.random.uniform(kt, (FEATURE_DIM, TABLE_SIZE * NUM_LEVELS), minval=0.0, maxval=1e-4, dtype=jnp.float32)
    return {"x": x, "hash_table": hash_table}


def reference(x, hash_table):
    scalings, hash_offset = _level_constants()
    scaled = jnp.einsum('ij,k->ikj', x, scalings)
    scaled_c = jax.lax.stop_gradient(jnp.ceil(scaled)).astype(jnp.int32)
    scaled_f = jax.lax.stop_gradient(jnp.floor(scaled)).astype(jnp.int32)
    point_offset = jnp.reshape(scaled - scaled_f, (SPATIAL_DIM, NUM_LEVELS))
    vertex_0 = scaled_c
    vertex_1 = jnp.concatenate([scaled_c[:, 0:1], scaled_f[:, 1:2]], axis=-1)
    vertex_2 = jnp.concatenate([scaled_f[:, 0:1], scaled_c[:, 1:2]], axis=-1)
    vertex_3 = jnp.concatenate([scaled_f[:, 0:1], scaled_f[:, 1:2]], axis=-1)
    hashed_0 = hash_function(vertex_0, TABLE_SIZE, hash_offset)
    hashed_1 = hash_function(vertex_1, TABLE_SIZE, hash_offset)
    hashed_2 = hash_function(vertex_2, TABLE_SIZE, hash_offset)
    hashed_3 = hash_function(vertex_3, TABLE_SIZE, hash_offset)
    f_0 = hash_table[:, hashed_0]
    f_1 = hash_table[:, hashed_1]
    f_2 = hash_table[:, hashed_2]
    f_3 = hash_table[:, hashed_3]
    f_03 = f_0 * point_offset[0:1, :] + f_3 * (1 - point_offset[0:1, :])
    f_12 = f_1 * point_offset[0:1, :] + f_2 * (1 - point_offset[0:1, :])
    encoded_value = f_03 * point_offset[1:2, :] + f_12 * (1 - point_offset[1:2, :])
    return jnp.ravel(jnp.transpose(encoded_value))

if __name__ == "__main__":
    import jax
    _d = setup_inputs()
    print(jax.jit(kernel)(*tuple(_d.values())))

</pallas_src>

<mosaic_0001>
#map = affine_map<(d0, d1) -> (0)>
#map1 = affine_map<(d0, d1) -> (0, 0)>
module attributes {stable_mosaic.version = 14 : i64} {
  func.func @_encode(%arg0: i32, %arg1: i32, %arg2: memref<2xf32, #tpu.memory_space<hbm>>, %arg3: memref<6x16xf32, #tpu.memory_space<hbm>>, %arg4: memref<16777216xf32, #tpu.memory_space<hbm>>, %arg5: memref<64xf32, #tpu.memory_space<hbm>>, %arg6: memref<1x16xf32, #tpu.memory_space<vmem>>, %arg7: memref<6x16xf32, #tpu.memory_space<vmem>>, %arg8: memref<64xi32, #tpu.memory_space<vmem>>, %arg9: memref<64xf32, #tpu.memory_space<vmem>>, %arg10: memref<16xf32, #tpu.memory_space<vmem>>, %arg11: memref<!tpu.dma_semaphore, #tpu.memory_space<semaphore_mem>>) attributes {dimension_semantics = [#tpu.dimension_semantics<core_parallel>, #tpu.dimension_semantics<subcore_parallel>], iteration_bounds = array<i64: 1, 4>, scalar_prefetch = 0 : i64, scratch_operands = 6 : i64, tpu.core_type = #tpu.core_type<sc_vector_subcore>, window_params = [{transform_indices = #map}, {transform_indices = #map1}, {transform_indices = #map}, {transform_indices = #map}]} {
    %lt3A = arith.constant 4 : i32
    %lt3A_0 = arith.cmpi slt, %arg1, %lt3A : i32
    %convert_element_type3A = arith.extui %lt3A_0 : i1 to i32
    %cond3A = arith.constant 0 : i32
    %cond3A_1 = arith.cmpi ne, %convert_element_type3A, %cond3A : i32
    scf.if %cond3A_1 {
      %dma_start3A = arith.constant 0 : i32
      %dma_start3A_2 = arith.constant 0 : i32
      %dma_start3A_3 = tpu.memref_slice %arg6[%dma_start3A, %dma_start3A_2] : memref<1x16xf32, #tpu.memory_space<vmem>> -> memref<1x2xf32, #tpu.memory_space<vmem>>
      %dma_start3A_4 = tpu.memref_squeeze %dma_start3A_3 : memref<1x2xf32, #tpu.memory_space<vmem>> -> memref<2xf32, #tpu.memory_space<vmem>>
      %dma_start3A_5 = arith.constant 0 : i32
      %dma_start3A_6 = tpu.memref_slice %arg6[%dma_start3A, %dma_start3A_5] : memref<1x16xf32, #tpu.memory_space<vmem>> -> memref<1x2xf32, #tpu.memory_space<vmem>>
      %dma_start3A_7 = tpu.memref_squeeze %dma_start3A_6 : memref<1x2xf32, #tpu.memory_space<vmem>> -> memref<2xf32, #tpu.memory_space<vmem>>
      tpu.enqueue_dma source(%arg2 : memref<2xf32, #tpu.memory_space<hbm>>) target(%dma_start3A_7 : memref<2xf32, #tpu.memory_space<vmem>>) target_semaphore(%arg11 : memref<!tpu.dma_semaphore, #tpu.memory_space<semaphore_mem>>)
      tpu.enqueue_dma source(%arg3 : memref<6x16xf32, #tpu.memory_space<hbm>>) target(%arg7 : memref<6x16xf32, #tpu.memory_space<vmem>>) target_semaphore(%arg11 : memref<!tpu.dma_semaphore, #tpu.memory_space<semaphore_mem>>)
      %dma_wait3A = arith.constant 0 : i32
      %dma_wait3A_8 = arith.constant 0 : i32
      %dma_wait3A_9 = tpu.memref_slice %arg6[%dma_wait3A, %dma_wait3A_8] : memref<1x16xf32, #tpu.memory_space<vmem>> -> memref<1x2xf32, #tpu.memory_space<vmem>>
      %dma_wait3A_10 = tpu.memref_squeeze %dma_wait3A_9 : memref<1x2xf32, #tpu.memory_space<vmem>> -> memref<2xf32, #tpu.memory_space<vmem>>
      %dma_wait3A_11 = arith.constant 0 : i32
      %dma_wait3A_12 = tpu.memref_slice %arg6[%dma_wait3A, %dma_wait3A_11] : memref<1x16xf32, #tpu.memory_space<vmem>> -> memref<1x2xf32, #tpu.memory_space<vmem>>
      %dma_wait3A_13 = tpu.memref_squeeze %dma_wait3A_12 : memref<1x2xf32, #tpu.memory_space<vmem>> -> memref<2xf32, #tpu.memory_space<vmem>>
      tpu.wait_dma2 semaphore(%arg11 : memref<!tpu.dma_semaphore, #tpu.memory_space<semaphore_mem>>) src(%arg2 : memref<2xf32, #tpu.memory_space<hbm>>) dst(%dma_wait3A_13 : memref<2xf32, #tpu.memory_space<vmem>>)
      tpu.wait_dma2 semaphore(%arg11 : memref<!tpu.dma_semaphore, #tpu.memory_space<semaphore_mem>>) src(%arg3 : memref<6x16xf32, #tpu.memory_space<hbm>>) dst(%arg7 : memref<6x16xf32, #tpu.memory_space<vmem>>)
      %get3A = arith.constant 0 : i32
      %get3A_14 = arith.index_cast %get3A : i32 to index
      %get3A_15 = arith.constant 0 : index
      %get3A_16 = tpu.vector_load %arg6[%get3A_14, %get3A_15] {strides = array<i32>} : memref<1x16xf32, #tpu.memory_space<vmem>>, vector<1x16xf32>,
      %get3A_17 = vector.shape_cast %get3A_16 : vector<1x16xf32> to vector<16xf32>
      %slice3A = vector.extract_strided_slice %get3A_17 {offsets = [0], sizes = [1], strides = [1]} : vector<16xf32> to vector<1xf32>
      %squeeze3A = vector.extract %slice3A[0] : f32 from vector<1xf32>
      %broadcast_in_dim3A = vector.broadcast %squeeze3A : f32 to vector<16xf32>
      %slice3A_18 = vector.extract_strided_slice %get3A_17 {offsets = [1], sizes = [1], strides = [1]} : vector<16xf32> to vector<1xf32>
      %squeeze3A_19 = vector.extract %slice3A_18[0] : f32 from vector<1xf32>
      %broadcast_in_dim3A_20 = vector.broadcast %squeeze3A_19 : f32 to vector<16xf32>
      %get3A_21 = arith.constant 4 : i32
      %get3A_22 = arith.index_cast %get3A_21 : i32 to index
      %get3A_23 = arith.constant 0 : index
      %get3A_24 = tpu.vector_load %arg7[%get3A_22, %get3A_23] {strides = array<i32>} : memref<6x16xf32, #tpu.memory_space<vmem>>, vector<1x16xf32>,
      %get3A_25 = vector.shape_cast %get3A_24 : vector<1x16xf32> to vector<16xf32>
      %get3A_26 = arith.constant 5 : i32
      %get3A_27 = arith.index_cast %get3A_26 : i32 to index
      %get3A_28 = arith.constant 0 : index
      %get3A_29 = tpu.vector_load %arg7[%get3A_27, %get3A_28] {strides = array<i32>} : memref<6x16xf32, #tpu.memory_space<vmem>>, vector<1x16xf32>,
      %get3A_30 = vector.shape_cast %get3A_29 : vector<1x16xf32> to vector<16xf32>
      %get3A_31 = arith.index_cast %arg1 : i32 to index
      %get3A_32 = arith.constant 0 : index
      %get3A_33 = tpu.vector_load %arg7[%get3A_31, %get3A_32] {strides = array<i32>} : memref<6x16xf32, #tpu.memory_space<vmem>>, vector<1x16xf32>,
      %get3A_34 = vector.shape_cast %get3A_33 : vector<1x16xf32> to vector<16xf32>
      %iota3A = tpu.iota {dimensions = array<i32: 0>} : vector<16xi32>
      %and3A = arith.constant 1 : i32
      %and3A_35 = vector.broadcast %and3A : i32 to vector<16xi32>
      %and3A_36 = arith.andi %iota3A, %and3A_35 : vector<16xi32>
      %mul3A = arith.constant 128 : i32
      %mul3A_37 = vector.broadcast %mul3A : i32 to vector<16xi32>
      %mul3A_38 = arith.muli %and3A_36, %mul3A_37 : vector<16xi32>
      %shift_right_arithmetic3A = arith.constant 1 : i32
      %shift_right_arithmetic3A_39 = vector.broadcast %shift_right_arithmetic3A : i32 to vector<16xi32>
      %shift_right_arithmetic3A_40 = arith.shrsi %iota3A, %shift_right_arithmetic3A_39 : vector<16xi32>
      %and3A_41 = arith.constant 1 : i32
      %and3A_42 = vector.broadcast %and3A_41 : i32 to vector<16xi32>
      %and3A_43 = arith.andi %shift_right_arithmetic3A_40, %and3A_42 : vector<16xi32>
      %convert_element_type3A_44 = arith.sitofp %and3A_43 : vector<16xi32> to vector<16xf32>
      %sub3A = arith.constant 1.000000e+00 : f32
      %sub3A_45 = vector.broadcast %sub3A : f32 to vector<16xf32>
      %sub3A_46 = arith.subf %sub3A_45, %convert_element_type3A_44 : vector<16xf32>
      %mul3A_47 = arith.mulf %broadcast_in_dim3A, %sub3A_46 : vector<16xf32>
      %mul3A_48 = arith.mulf %broadcast_in_dim3A_20, %convert_element_type3A_44 : vector<16xf32>
      %add3A = arith.addf %mul3A_47, %mul3A_48 : vector<16xf32>
      %mul3A_49 = arith.constant 4 : i32
      %mul3A_50 = arith.muli %arg1, %mul3A_49 : i32
      %shift_right_arithmetic3A_51 = arith.constant 2 : i32
      %shift_right_arithmetic3A_52 = vector.broadcast %shift_right_arithmetic3A_51 : i32 to vector<16xi32>
      %shift_right_arithmetic3A_53 = arith.shrsi %iota3A, %shift_right_arithmetic3A_52 : vector<16xi32>
      %add3A_54 = vector.broadcast %mul3A_50 : i32 to vector<16xi32>
      %add3A_55 = arith.addi %add3A_54, %shift_right_arithmetic3A_53 : vector<16xi32>
      %mul3A_56 = arith.constant 524288 : i32
      %mul3A_57 = vector.broadcast %mul3A_56 : i32 to vector<16xi32>
      %mul3A_58 = arith.muli %add3A_55, %mul3A_57 : vector<16xi32>
      %mul3A_59 = arith.mulf %add3A, %get3A_25 : vector<16xf32>
      %convert_element_type3A_60 = arith.fptosi %mul3A_59 : vector<16xf32> to vector<16xi32>
      %convert_element_type3A_61 = arith.sitofp %convert_element_type3A_60 : vector<16xi32> to vector<16xf32>
      %sub3A_62 = arith.subf %mul3A_59, %convert_element_type3A_61 : vector<16xf32>
      %sign3A = tpu.bitcast %sub3A_62 : vector<16xf32> -> vector<16xi32>
      %sign3A_63 = arith.constant -2147483648 : i32
      %sign3A_64 = vector.broadcast %sign3A_63 : i32 to vector<16xi32>
      %sign3A_65 = arith.andi %sign3A, %sign3A_64 : vector<16xi32>
      %sign3A_66 = arith.constant 1065353216 : i32
      %sign3A_67 = vector.broadcast %sign3A_66 : i32 to vector<16xi32>
      %sign3A_68 = arith.ori %sign3A_67, %sign3A_65 : vector<16xi32>
      %sign3A_69 = tpu.bitcast %sign3A_68 : vector<16xi32> -> vector<16xf32>
      %sign3A_70 = math.absf %sub3A_62 : vector<16xf32>
      %sign3A_71 = arith.constant 0.000000e+00 : f32
      %sign3A_72 = vector.broadcast %sign3A_71 : f32 to vector<16xf32>
      %sign3A_73 = arith.cmpf ogt, %sign3A_70, %sign3A_72 : vector<16xf32>
      %sign3A_74 = arith.select %sign3A_73, %sign3A_69, %sub3A_62 : vector<16xi1>, vector<16xf32>
      %convert_element_type3A_75 = arith.fptosi %sign3A_74 : vector<16xf32> to vector<16xi32>
      %add3A_76 = arith.addi %convert_element_type3A_60, %convert_element_type3A_75 : vector<16xi32>
      %mul3A_77 = arith.mulf %add3A, %get3A_30 : vector<16xf32>
      %convert_element_type3A_78 = arith.fptosi %mul3A_77 : vector<16xf32> to vector<16xi32>
      %convert_element_type3A_79 = arith.sitofp %convert_element_type3A_78 : vector<16xi32> to vector<16xf32>
      %sub3A_80 = arith.subf %mul3A_77, %convert_element_type3A_79 : vector<16xf32>
      %sign3A_81 = tpu.bitcast %sub3A_80 : vector<16xf32> -> vector<16xi32>
      %sign3A_82 = arith.constant -2147483648 : i32
      %sign3A_83 = vector.broadcast %sign3A_82 : i32 to vector<16xi32>
      %sign3A_84 = arith.andi %sign3A_81, %sign3A_83 : vector<16xi32>
      %sign3A_85 = arith.constant 1065353216 : i32
      %sign3A_86 = vector.broadcast %sign3A_85 : i32 to vector<16xi32>
      %sign3A_87 = arith.ori %sign3A_86, %sign3A_84 : vector<16xi32>
      %sign3A_88 = tpu.bitcast %sign3A_87 : vector<16xi32> -> vector<16xf32>
      %sign3A_89 = math.absf %sub3A_80 : vector<16xf32>
      %sign3A_90 = arith.constant 0.000000e+00 : f32
      %sign3A_91 = vector.broadcast %sign3A_90 : f32 to vector<16xf32>
      %sign3A_92 = arith.cmpf ogt, %sign3A_89, %sign3A_91 : vector<16xf32>
      %sign3A_93 = arith.select %sign3A_92, %sign3A_88, %sub3A_80 : vector<16xi1>, vector<16xf32>
      %convert_element_type3A_94 = arith.fptosi %sign3A_93 : vector<16xf32> to vector<16xi32>
      %add3A_95 = arith.addi %convert_element_type3A_78, %convert_element_type3A_94 : vector<16xi32>
      %mul3A_96 = arith.mulf %add3A, %get3A_34 : vector<16xf32>
      %convert_element_type3A_97 = arith.fptosi %mul3A_96 : vector<16xf32> to vector<16xi32>
      %convert_element_type3A_98 = arith.sitofp %convert_element_type3A_97 : vector<16xi32> to vector<16xf32>
      %sub3A_99 = arith.subf %mul3A_96, %convert_element_type3A_98 : vector<16xf32>
      %sign3A_100 = tpu.bitcast %sub3A_99 : vector<16xf32> -> vector<16xi32>
      %sign3A_101 = arith.constant -2147483648 : i32
      %sign3A_102 = vector.broadcast %sign3A_101 : i32 to vector<16xi32>
      %sign3A_103 = arith.andi %sign3A_100, %sign3A_102 : vector<16xi32>
      %sign3A_104 = arith.constant 1065353216 : i32
      %sign3A_105 = vector.broadcast %sign3A_104 : i32 to vector<16xi32>
      %sign3A_106 = arith.ori %sign3A_105, %sign3A_103 : vector<16xi32>
      %sign3A_107 = tpu.bitcast %sign3A_106 : vector<16xi32> -> vector<16xf32>
      %sign3A_108 = math.absf %sub3A_99 : vector<16xf32>
      %sign3A_109 = arith.constant 0.000000e+00 : f32
      %sign3A_110 = vector.broadcast %sign3A_109 : f32 to vector<16xf32>
      %sign3A_111 = arith.cmpf ogt, %sign3A_108, %sign3A_110 : vector<16xf32>
      %sign3A_112 = arith.select %sign3A_111, %sign3A_107, %sub3A_99 : vector<16xi1>, vector<16xf32>
      %convert_element_type3A_113 = arith.fptosi %sign3A_112 : vector<16xf32> to vector<16xi32>
      %add3A_114 = arith.addi %convert_element_type3A_97, %convert_element_type3A_113 : vector<16xi32>
      %mul3A_115 = arith.constant -1640531535 : i32
      %mul3A_116 = vector.broadcast %mul3A_115 : i32 to vector<16xi32>
      %mul3A_117 = arith.muli %add3A_114, %mul3A_116 : vector<16xi32>
      %xor3A = arith.xori %add3A_114, %mul3A_117 : vector<16xi32>
      %and3A_118 = arith.constant 524287 : i32
      %and3A_119 = vector.broadcast %and3A_118 : i32 to vector<16xi32>
      %and3A_120 = arith.andi %xor3A, %and3A_119 : vector<16xi32>
      %add3A_121 = arith.addi %and3A_120, %mul3A_58 : vector<16xi32>
      %shift_right_arithmetic3A_122 = arith.constant 7 : i32
      %shift_right_arithmetic3A_123 = vector.broadcast %shift_right_arithmetic3A_122 : i32 to vector<16xi32>
      %shift_right_arithmetic3A_124 = arith.shrsi %add3A_121, %shift_right_arithmetic3A_123 : vector<16xi32>
      %shift_left3A = arith.constant 8 : i32
      %shift_left3A_125 = vector.broadcast %shift_left3A : i32 to vector<16xi32>
      %shift_left3A_126 = arith.shli %shift_right_arithmetic3A_124, %shift_left3A_125 : vector<16xi32>
      %add3A_127 = arith.addi %shift_left3A_126, %mul3A_38 : vector<16xi32>
      %and3A_128 = arith.constant 127 : i32
      %and3A_129 = vector.broadcast %and3A_128 : i32 to vector<16xi32>
      %and3A_130 = arith.andi %add3A_121, %and3A_129 : vector<16xi32>
      %add3A_131 = arith.addi %add3A_127, %and3A_130 : vector<16xi32>
      %mul3A_132 = arith.constant -1640531535 : i32
      %mul3A_133 = vector.broadcast %mul3A_132 : i32 to vector<16xi32>
      %mul3A_134 = arith.muli %convert_element_type3A_78, %mul3A_133 : vector<16xi32>
      %xor3A_135 = arith.xori %add3A_76, %mul3A_134 : vector<16xi32>
      %and3A_136 = arith.constant 524287 : i32
      %and3A_137 = vector.broadcast %and3A_136 : i32 to vector<16xi32>
      %and3A_138 = arith.andi %xor3A_135, %and3A_137 : vector<16xi32>
      %add3A_139 = arith.addi %and3A_138, %mul3A_58 : vector<16xi32>
      %shift_right_arithmetic3A_140 = arith.constant 7 : i32
      %shift_right_arithmetic3A_141 = vector.broadcast %shift_right_arithmetic3A_140 : i32 to vector<16xi32>
      %shift_right_arithmetic3A_142 = arith.shrsi %add3A_139, %shift_right_arithmetic3A_141 : vector<16xi32>
      %shift_left3A_143 = arith.constant 8 : i32
      %shift_left3A_144 = vector.broadcast %shift_left3A_143 : i32 to vector<16xi32>
      %shift_left3A_145 = arith.shli %shift_right_arithmetic3A_142, %shift_left3A_144 : vector<16xi32>
      %add3A_146 = arith.addi %shift_left3A_145, %mul3A_38 : vector<16xi32>
      %and3A_147 = arith.constant 127 : i32
      %and3A_148 = vector.broadcast %and3A_147 : i32 to vector<16xi32>
      %and3A_149 = arith.andi %add3A_139, %and3A_148 : vector<16xi32>
      %add3A_150 = arith.addi %add3A_146, %and3A_149 : vector<16xi32>
      %mul3A_151 = arith.constant -1640531535 : i32
      %mul3A_152 = vector.broadcast %mul3A_151 : i32 to vector<16xi32>
      %mul3A_153 = arith.muli %add3A_95, %mul3A_152 : vector<16xi32>
      %xor3A_154 = arith.xori %convert_element_type3A_60, %mul3A_153 : vector<16xi32>
      %and3A_155 = arith.constant 524287 : i32
      %and3A_156 = vector.broadcast %and3A_155 : i32 to vector<16xi32>
      %and3A_157 = arith.andi %xor3A_154, %and3A_156 : vector<16xi32>
      %add3A_158 = arith.addi %and3A_157, %mul3A_58 : vector<16xi32>
      %shift_right_arithmetic3A_159 = arith.constant 7 : i32
      %shift_right_arithmetic3A_160 = vector.broadcast %shift_right_arithmetic3A_159 : i32 to vector<16xi32>
      %shift_right_arithmetic3A_161 = arith.shrsi %add3A_158, %shift_right_arithmetic3A_160 : vector<16xi32>
      %shift_left3A_162 = arith.constant 8 : i32
      %shift_left3A_163 = vector.broadcast %shift_left3A_162 : i32 to vector<16xi32>
      %shift_left3A_164 = arith.shli %shift_right_arithmetic3A_161, %shift_left3A_163 : vector<16xi32>
      %add3A_165 = arith.addi %shift_left3A_164, %mul3A_38 : vector<16xi32>
      %and3A_166 = arith.constant 127 : i32
      %and3A_167 = vector.broadcast %and3A_166 : i32 to vector<16xi32>
      %and3A_168 = arith.andi %add3A_158, %and3A_167 : vector<16xi32>
      %add3A_169 = arith.addi %add3A_165, %and3A_168 : vector<16xi32>
      %mul3A_170 = arith.constant -1640531535 : i32
      %mul3A_171 = vector.broadcast %mul3A_170 : i32 to vector<16xi32>
      %mul3A_172 = arith.muli %convert_element_type3A_78, %mul3A_171 : vector<16xi32>
      %xor3A_173 = arith.xori %convert_element_type3A_60, %mul3A_172 : vector<16xi32>
      %and3A_174 = arith.constant 524287 : i32
      %and3A_175 = vector.broadcast %and3A_174 : i32 to vector<16xi32>
      %and3A_176 = arith.andi %xor3A_173, %and3A_175 : vector<16xi32>
      %add3A_177 = arith.addi %and3A_176, %mul3A_58 : vector<16xi32>
      %shift_right_arithmetic3A_178 = arith.constant 7 : i32
      %shift_right_arithmetic3A_179 = vector.broadcast %shift_right_arithmetic3A_178 : i32 to vector<16xi32>
      %shift_right_arithmetic3A_180 = arith.shrsi %add3A_177, %shift_right_arithmetic3A_179 : vector<16xi32>
      %shift_left3A_181 = arith.constant 8 : i32
      %shift_left3A_182 = vector.broadcast %shift_left3A_181 : i32 to vector<16xi32>
      %shift_left3A_183 = arith.shli %shift_right_arithmetic3A_180, %shift_left3A_182 : vector<16xi32>
      %add3A_184 = arith.addi %shift_left3A_183, %mul3A_38 : vector<16xi32>
      %and3A_185 = arith.constant 127 : i32
      %and3A_186 = vector.broadcast %and3A_185 : i32 to vector<16xi32>
      %and3A_187 = arith.andi %add3A_177, %and3A_186 : vector<16xi32>
      %add3A_188 = arith.addi %add3A_184, %and3A_187 : vector<16xi32>
      %swap3A = arith.constant 0 : index
      %swap3A_189 = tpu.vector_load %arg8[%swap3A] {strides = array<i32>} : memref<64xi32, #tpu.memory_space<vmem>>, vector<16xi32>,
      %swap3A_190 = vector.shape_cast %swap3A_189 : vector<16xi32> to vector<16xi32>
      %swap3A_191 = vector.shape_cast %add3A_131 : vector<16xi32> to vector<16xi32>
      tpu.vector_store %arg8[%swap3A], %swap3A_191 {strides = array<i32>} : memref<64xi32, #tpu.memory_space<vmem>>, vector<16xi32>,
      %swap3A_192 = arith.constant 16 : index
      %swap3A_193 = tpu.vector_load %arg8[%swap3A_192] {strides = array<i32>} : memref<64xi32, #tpu.memory_space<vmem>>, vector<16xi32>,
      %swap3A_194 = vector.shape_cast %swap3A_193 : vector<16xi32> to vector<16xi32>
      %swap3A_195 = vector.shape_cast %add3A_150 : vector<16xi32> to vector<16xi32>
      tpu.vector_store %arg8[%swap3A_192], %swap3A_195 {strides = array<i32>} : memref<64xi32, #tpu.memory_space<vmem>>, vector<16xi32>,
      %swap3A_196 = arith.constant 32 : index
      %swap3A_197 = tpu.vector_load %arg8[%swap3A_196] {strides = array<i32>} : memref<64xi32, #tpu.memory_space<vmem>>, vector<16xi32>,
      %swap3A_198 = vector.shape_cast %swap3A_197 : vector<16xi32> to vector<16xi32>
      %swap3A_199 = vector.shape_cast %add3A_169 : vector<16xi32> to vector<16xi32>
      tpu.vector_store %arg8[%swap3A_196], %swap3A_199 {strides = array<i32>} : memref<64xi32, #tpu.memory_space<vmem>>, vector<16xi32>,
      %swap3A_200 = arith.constant 48 : index
      %swap3A_201 = tpu.vector_load %arg8[%swap3A_200] {strides = array<i32>} : memref<64xi32, #tpu.memory_space<vmem>>, vector<16xi32>,
      %swap3A_202 = vector.shape_cast %swap3A_201 : vector<16xi32> to vector<16xi32>
      %swap3A_203 = vector.shape_cast %add3A_188 : vector<16xi32> to vector<16xi32>
      tpu.vector_store %arg8[%swap3A_200], %swap3A_203 {strides = array<i32>} : memref<64xi32, #tpu.memory_space<vmem>>, vector<16xi32>,
      %dma_start3A_204 = arith.constant 0 : i32
      %dma_start3A_205 = tpu.memref_slice %arg4[%dma_start3A_204] : memref<16777216xf32, #tpu.memory_space<hbm>> -> memref<16777216xf32, #tpu.memory_space<hbm>>
      tpu.enqueue_indirect_dma source(%dma_start3A_205 : memref<16777216xf32, #tpu.memory_space<hbm>>) target(%arg9 : memref<64xf32, #tpu.memory_space<vmem>>) offsets(%arg8 : memref<64xi32, #tpu.memory_space<vmem>>) semaphore(%arg11 : memref<!tpu.dma_semaphore, #tpu.memory_space<semaphore_mem>>)
      %mul3A_206 = arith.mulf %broadcast_in_dim3A, %get3A_34 : vector<16xf32>
      %convert_element_type3A_207 = arith.fptosi %mul3A_206 : vector<16xf32> to vector<16xi32>
      %convert_element_type3A_208 = arith.sitofp %convert_element_type3A_207 : vector<16xi32> to vector<16xf32>
      %sub3A_209 = arith.subf %mul3A_206, %convert_element_type3A_208 : vector<16xf32>
      %sign3A_210 = tpu.bitcast %sub3A_209 : vector<16xf32> -> vector<16xi32>
      %sign3A_211 = arith.constant -2147483648 : i32
      %sign3A_212 = vector.broadcast %sign3A_211 : i32 to vector<16xi32>
      %sign3A_213 = arith.andi %sign3A_210, %sign3A_212 : vector<16xi32>
      %sign3A_214 = arith.constant 1065353216 : i32
      %sign3A_215 = vector.broadcast %sign3A_214 : i32 to vector<16xi32>
      %sign3A_216 = arith.ori %sign3A_215, %sign3A_213 : vector<16xi32>
      %sign3A_217 = tpu.bitcast %sign3A_216 : vector<16xi32> -> vector<16xf32>
      %sign3A_218 = math.absf %sub3A_209 : vector<16xf32>
      %sign3A_219 = arith.constant 0.000000e+00 : f32
      %sign3A_220 = vector.broadcast %sign3A_219 : f32 to vector<16xf32>
      %sign3A_221 = arith.cmpf ogt, %sign3A_218, %sign3A_220 : vector<16xf32>
      %sign3A_222 = arith.select %sign3A_221, %sign3A_217, %sub3A_209 : vector<16xi1>, vector<16xf32>
      %convert_element_type3A_223 = arith.fptosi %sign3A_222 : vector<16xf32> to vector<16xi32>
      %add3A_224 = arith.addi %convert_element_type3A_207, %convert_element_type3A_223 : vector<16xi32>
      %mul3A_225 = arith.mulf %broadcast_in_dim3A_20, %get3A_34 : vector<16xf32>
      %convert_element_type3A_226 = arith.fptosi %mul3A_225 : vector<16xf32> to vector<16xi32>
      %convert_element_type3A_227 = arith.sitofp %convert_element_type3A_226 : vector<16xi32> to vector<16xf32>
      %sub3A_228 = arith.subf %mul3A_225, %convert_element_type3A_227 : vector<16xf32>
      %sign3A_229 = tpu.bitcast %sub3A_228 : vector<16xf32> -> vector<16xi32>
      %sign3A_230 = arith.constant -2147483648 : i32
      %sign3A_231 = vector.broadcast %sign3A_230 : i32 to vector<16xi32>
      %sign3A_232 = arith.andi %sign3A_229, %sign3A_231 : vector<16xi32>
      %sign3A_233 = arith.constant 1065353216 : i32
      %sign3A_234 = vector.broadcast %sign3A_233 : i32 to vector<16xi32>
      %sign3A_235 = arith.ori %sign3A_234, %sign3A_232 : vector<16xi32>
      %sign3A_236 = tpu.bitcast %sign3A_235 : vector<16xi32> -> vector<16xf32>
      %sign3A_237 = math.absf %sub3A_228 : vector<16xf32>
      %sign3A_238 = arith.constant 0.000000e+00 : f32
      %sign3A_239 = vector.broadcast %sign3A_238 : f32 to vector<16xf32>
      %sign3A_240 = arith.cmpf ogt, %sign3A_237, %sign3A_239 : vector<16xf32>
      %sign3A_241 = arith.select %sign3A_240, %sign3A_236, %sub3A_228 : vector<16xi1>, vector<16xf32>
      %convert_element_type3A_242 = arith.fptosi %sign3A_241 : vector<16xf32> to vector<16xi32>
      %add3A_243 = arith.addi %convert_element_type3A_226, %convert_element_type3A_242 : vector<16xi32>
      %dma_wait3A_244 = arith.constant 0 : i32
      %dma_wait3A_245 = tpu.memref_slice %arg4[%dma_wait3A_244] : memref<16777216xf32, #tpu.memory_space<hbm>> -> memref<16777216xf32, #tpu.memory_space<hbm>>
      tpu.wait_indirect_dma semaphore(%arg11 : memref<!tpu.dma_semaphore, #tpu.memory_space<semaphore_mem>>) src(%dma_wait3A_245 : memref<16777216xf32, #tpu.memory_space<hbm>>) dst(%arg9 : memref<64xf32, #tpu.memory_space<vmem>>)
      %get3A_246 = arith.constant 0 : index
      %get3A_247 = tpu.vector_load %arg9[%get3A_246] {strides = array<i32>} : memref<64xf32, #tpu.memory_space<vmem>>, vector<16xf32>,
      %get3A_248 = vector.shape_cast %get3A_247 : vector<16xf32> to vector<16xf32>
      %get3A_249 = arith.constant 16 : index
      %get3A_250 = tpu.vector_load %arg9[%get3A_249] {strides = array<i32>} : memref<64xf32, #tpu.memory_space<vmem>>, vector<16xf32>,
      %get3A_251 = vector.shape_cast %get3A_250 : vector<16xf32> to vector<16xf32>
      %get3A_252 = arith.constant 32 : index
      %get3A_253 = tpu.vector_load %arg9[%get3A_252] {strides = array<i32>} : memref<64xf32, #tpu.memory_space<vmem>>, vector<16xf32>,
      %get3A_254 = vector.shape_cast %get3A_253 : vector<16xf32> to vector<16xf32>
      %get3A_255 = arith.constant 48 : index
      %get3A_256 = tpu.vector_load %arg9[%get3A_255] {strides = array<i32>} : memref<64xf32, #tpu.memory_space<vmem>>, vector<16xf32>,
      %get3A_257 = vector.shape_cast %get3A_256 : vector<16xf32> to vector<16xf32>
      %mul3A_258 = arith.mulf %get3A_248, %sub3A_209 : vector<16xf32>
      %sub3A_259 = arith.constant 1.000000e+00 : f32
      %sub3A_260 = vector.broadcast %sub3A_259 : f32 to vector<16xf32>
      %sub3A_261 = arith.subf %sub3A_260, %sub3A_209 : vector<16xf32>
      %mul3A_262 = arith.mulf %get3A_257, %sub3A_261 : vector<16xf32>
      %add3A_263 = arith.addf %mul3A_258, %mul3A_262 : vector<16xf32>
      %mul3A_264 = arith.mulf %get3A_251, %sub3A_209 : vector<16xf32>
      %sub3A_265 = arith.constant 1.000000e+00 : f32
      %sub3A_266 = vector.broadcast %sub3A_265 : f32 to vector<16xf32>
      %sub3A_267 = arith.subf %sub3A_266, %sub3A_209 : vector<16xf32>
      %mul3A_268 = arith.mulf %get3A_254, %sub3A_267 : vector<16xf32>
      %add3A_269 = arith.addf %mul3A_264, %mul3A_268 : vector<16xf32>
      %mul3A_270 = arith.mulf %add3A_263, %sub3A_228 : vector<16xf32>
      %sub3A_271 = arith.constant 1.000000e+00 : f32
      %sub3A_272 = vector.broadcast %sub3A_271 : f32 to vector<16xf32>
      %sub3A_273 = arith.subf %sub3A_272, %sub3A_228 : vector<16xf32>
      %mul3A_274 = arith.mulf %add3A_269, %sub3A_273 : vector<16xf32>
      %add3A_275 = arith.addf %mul3A_270, %mul3A_274 : vector<16xf32>
      %swap3A_276 = arith.constant 0 : index
      %swap3A_277 = tpu.vector_load %arg10[%swap3A_276] {strides = array<i32>} : memref<16xf32, #tpu.memory_space<vmem>>, vector<16xf32>,
      %swap3A_278 = vector.shape_cast %swap3A_277 : vector<16xf32> to vector<16xf32>
      %swap3A_279 = vector.shape_cast %add3A_275 : vector<16xf32> to vector<16xf32>
      tpu.vector_store %arg10[%swap3A_276], %swap3A_279 {strides = array<i32>} : memref<16xf32, #tpu.memory_space<vmem>>, vector<16xf32>,
      %mul3A_280 = arith.constant 16 : i32
      %mul3A_281 = arith.muli %arg1, %mul3A_280 : i32
      "tpu.region"() ({
        %run_scoped3A = tpu.sem_alloc : memref<!tpu.dma_semaphore, #tpu.memory_space<semaphore_mem>>
        %dma_start3A_282 = tpu.memref_slice %arg5[%mul3A_281] : memref<64xf32, #tpu.memory_space<hbm>> -> memref<16xf32, #tpu.memory_space<hbm>>
        %dma_start3A_283 = tpu.memref_slice %arg5[%mul3A_281] : memref<64xf32, #tpu.memory_space<hbm>> -> memref<16xf32, #tpu.memory_space<hbm>>
        tpu.enqueue_dma source(%arg10 : memref<16xf32, #tpu.memory_space<vmem>>) target(%dma_start3A_283 : memref<16xf32, #tpu.memory_space<hbm>>) target_semaphore(%run_scoped3A : memref<!tpu.dma_semaphore, #tpu.memory_space<semaphore_mem>>)
        %dma_wait3A_284 = tpu.memref_slice %arg5[%mul3A_281] : memref<64xf32, #tpu.memory_space<hbm>> -> memref<16xf32, #tpu.memory_space<hbm>>
        %dma_wait3A_285 = tpu.memref_slice %arg5[%mul3A_281] : memref<64xf32, #tpu.memory_space<hbm>> -> memref<16xf32, #tpu.memory_space<hbm>>
        tpu.wait_dma2 semaphore(%run_scoped3A : memref<!tpu.dma_semaphore, #tpu.memory_space<semaphore_mem>>) src(%arg10 : memref<16xf32, #tpu.memory_space<vmem>>) dst(%dma_wait3A_285 : memref<16xf32, #tpu.memory_space<hbm>>)
        tpu.yield
      }) : () -> ()
    } else {
    }
    return
  }
}

</mosaic_0001>

<sc_bundles>
// kernel: kernel.3.cloned.1.call-start
scs
__scs_entry_jumppad:
0x0: {  	(pc) =	sbr.rel $0x88, $3  }
0x1: {  	(tag) =	ssettag $0x0;
	lr =	simm.s32 $0x1  }
0x2: {  	[smem:$0x3F9F] =	sst lr;
	_ =	strace $0xD0000000  }
0x3: {  	_ = 	snop  }
0x4: {  	_ = 	snop  }
0x5: {  	_ = 	snop  }
0x6: {  	_ = 	snop  }
0x7: {  	_ = 	snop  }
__scs_overlays_trampoline_lowered:
0x8: {  	[smem:$0x3FAE] =	sst s0  }
0x9: {  	[smem:$0x3FAF] =	sst s1  }
0xa: {  	[smem:$0x3FB0] =	sst s2  }
0xb: {  	[smem:$0x3FB1] =	sst s3  }
0xc: {  	[smem:$0x3FB2] =	sst s4  }
0xd: {  	[smem:$0x3FB3] =	sst s5  }
0xe: {  	[smem:$0x3FB4] =	sst s6  }
0xf: {  	[smem:$0x3FB5] =	sst s7  }
0x10: {  	[smem:$0x3FB6] =	sst s8  }
0x11: {  	[smem:$0x3FB7] =	sst s9;
	s0 =	simm.s32 @!p0 $0x0  }
0x12: {  	s1 =	sld [smem:$0x3F9D];
	s0 =	simm.s32 @p0 $0x1  }
0x13: {  	[smem:$0x3FB8] =	sst s0;
	s0 =	simm.s32 @!p1 $0x0  }
0x14: {  	s2 =	sld [smem:$0x3F9C];
	s0 =	simm.s32 @p1 $0x1  }
0x15: {  	[smem:$0x3FB9] =	sst s0;
	s0 =	simm.s32 @!p2 $0x0  }
0x16: {  	s3 =	sld [smem:$0x3FDB];
	s0 =	simm.s32 @p2 $0x1  }
0x17: {  	s4 =	simm.s32 $0x1BF5;
	[smem:$0x3FBB] =	sst s0  }
0x18: {  	s0 =	sld [smem:$0x3F9E];
	_ =	swait.ge [sflag:s4], $0x0  }
0x19: {  	s7 =	sld [smem:$0x3F9F]  }
0x1a: {  	s8 =	sadd.s32 $0xFFFFE003, lr  }
0x1b: {  	s9 =	sadd.s32 $0xFFFFFEF7, lr;
	s5 =	simm.s32 $0xFFFFFFFF;
	p2 =	slt.u32 s8, $0xFFFFF086  }
0x1c: {  	p1 =	slt.u32 s9, $0xF7A;
	s5 =	simm.s32 @!p2 $0x0  }
0x1d: {  	s5 =	simm.s32 @p1 $0x1;
	p0 =	seq.s32 s7, s2  }
0x1e: {  	s7 =	smul.u32 @!p0 $0xF7A, s2;
	p2 =	seq.s32 @!p0 s5, $0x0  }
0x1f: {  	s9 =	smul.u32 $0xF7A, s1;
	s8 =	simm.s32 @!p0 $0x1BF5;
	p2 =	por !p2, p0  }
0x20: {  	[sflag:s8] =	ssyncset.s32 @!p0 $0xFFFFF086;
	s6 =	sadd.s32 @!p0 s3, s7;
	s7 =	simm.s32 @!p0 $0x108  }
0x21: {  	s3 =	sadd.s32 s3, s9;
	s6 =	sadd.s32 @!p0 $0x88, s6;
	s7 =	simm.s32 @p2 $0x1082  }
0x22: {  	[simem:s7], [sflag:s8] =	dma.local @!p0 [hbm:s6], $0xF7A  }
0x23: {  	s9 =	sor.u32 $0xD0000000, s2;
	s6 =	simm.s32 $0x108;
	_ =	swait.ge @!p0 [sflag:s8], $0x0  }
0x24: {  	s3 =	sadd.s32 $0x88, s3;
	s6 =	simm.s32 @!p1 $0x1082;
	[sflag:s4] =	ssyncset.s32 $0xFFFFF086  }
0x25: {  	[simem:s6], [sflag:s4] =	dma.local [hbm:s3], $0xF7A  }
0x26: {  	[smem:$0x3F9F] =	sst s1;
	(tag) =	ssettag s2;
	_ =	strace s9  }
0x27: {  	s1 =	sld [smem:$0x3FAF]  }
0x28: {  	s2 =	sld [smem:$0x3FB0]  }
0x29: {  	s4 =	sld [smem:$0x3FB2]  }
0x2a: {  	p0 =	seq.s32 s5, $0x0;
	s5 =	sld [smem:$0x3FB3]  }
0x2b: {  	s6 =	sld [smem:$0x3FB4]  }
0x2c: {  	s7 =	sld [smem:$0x3FB5]  }
0x2d: {  	s3 =	simm.s32 $0x108;
	s8 =	sld [smem:$0x3FB6]  }
0x2e: {  	s3 =	simm.s32 @!p0 $0x1082;
	s9 =	sld [smem:$0x3FB7]  }
0x2f: {  	lr =	sadd.s32 s0, s3;
	s0 =	sld [smem:$0x3FAE]  }
0x30: {  	s3 =	sld [smem:$0x3FB1]  }
0x31: {  	[smem:$0x3FBA] =	sst s10  }
0x32: {  	s10 =	sld [smem:$0x3FB8];
	_ =	sdelay $0x3  }
0x33: {  	p0 =	seq.s32 s10, $0x1;
	s10 =	sld [smem:$0x3FBA];
	_ =	sdelay $0x3  }
0x34: {  	[smem:$0x3FBA] =	sst s10  }
0x35: {  	s10 =	sld [smem:$0x3FB9];
	_ =	sdelay $0x3  }
0x36: {  	p1 =	seq.s32 s10, $0x1;
	s10 =	sld [smem:$0x3FBA];
	_ =	sdelay $0x3  }
0x37: {  	[smem:$0x3FBA] =	sst s10  }
0x38: {  	s10 =	sld [smem:$0x3FBB]  }
0x39: {  	_ = 	snop;
	(pc) =	sbr.ind lr, $3  }
0x3a: {  	_ = 	snop  }
0x3b: {  	_ = 	snop  }
0x3c: {  	p2 =	seq.s32 s10, $0x1;
	s10 =	sld [smem:$0x3FBA]  }
0x3d: {  	_ =	shalt  }
0x3e: {  	_ =	shalt  }
0x3f: {  	_ =	shalt  }
0x40: {  	_ =	shalt  }
0x41: {  	_ =	shalt  }
0x42: {  	_ =	shalt  }
0x43: {  	_ =	shalt  }
0x44: {  	_ =	shalt  }
0x45: {  	_ =	shalt  }
0x46: {  	_ =	shalt  }
0x47: {  	_ =	shalt  }
0x48: {  	_ =	shalt  }
0x49: {  	_ =	shalt  }
0x4a: {  	_ =	shalt  }
0x4b: {  	_ =	shalt  }
0x4c: {  	_ =	shalt  }
0x4d: {  	_ =	shalt  }
0x4e: {  	_ =	shalt  }
0x4f: {  	_ =	shalt  }
0x50: {  	_ =	shalt  }
0x51: {  	_ =	shalt  }
0x52: {  	_ =	shalt  }
0x53: {  	_ =	shalt  }
0x54: {  	_ =	shalt  }
0x55: {  	_ =	shalt  }
0x56: {  	_ =	shalt  }
0x57: {  	_ =	shalt  }
0x58: {  	_ =	shalt  }
0x59: {  	_ =	shalt  }
0x5a: {  	_ =	shalt  }
0x5b: {  	_ =	shalt  }
0x5c: {  	_ =	shalt  }
0x5d: {  	_ =	shalt  }
0x5e: {  	_ =	shalt  }
0x5f: {  	_ =	shalt  }
0x60: {  	_ =	shalt  }
0x61: {  	_ =	shalt  }
0x62: {  	_ =	shalt  }
0x63: {  	_ =	shalt  }
0x64: {  	_ =	shalt  }
0x65: {  	_ =	shalt  }
0x66: {  	_ =	shalt  }
0x67: {  	_ =	shalt  }
0x68: {  	_ =	shalt  }
0x69: {  	_ =	shalt  }
0x6a: {  	_ =	shalt  }
0x6b: {  	_ =	shalt  }
0x6c: {  	_ =	shalt  }
0x6d: {  	_ =	shalt  }
0x6e: {  	_ =	shalt  }
0x6f: {  	_ =	shalt  }
0x70: {  	_ =	shalt  }
0x71: {  	_ =	shalt  }
0x72: {  	_ =	shalt  }
0x73: {  	_ =	shalt  }
0x74: {  	_ =	shalt  }
0x75: {  	_ =	shalt  }
0x76: {  	_ =	shalt  }
0x77: {  	_ =	shalt  }
0x78: {  	_ =	shalt  }
0x79: {  	_ =	shalt  }
0x7a: {  	_ =	shalt  }
0x7b: {  	_ =	shalt  }
0x7c: {  	_ =	shalt  }
0x7d: {  	_ =	shalt  }
0x7e: {  	_ =	shalt  }
0x7f: {  	_ =	shalt  }
0x80: {  	_ =	shalt  }
0x81: {  	_ =	shalt  }
0x82: {  	_ =	shalt  }
0x83: {  	_ =	shalt  }
0x84: {  	_ =	shalt  }
0x85: {  	_ =	shalt  }
0x86: {  	_ =	shalt  }
0x87: {  	_ =	shalt  }
.Lfunc_end0:
.L_simem_size_0:
called_computation_lowered:
.L_overlay_start_0:
0x88: {  	s0 =	sld [smem:$0x3FD9]  }
0x89: {  	s1 =	sld [smem:$0x3FFE];
	_ =	sdelay $0x3  }
0x8a: {  	s0 =	sadd.s32 s1, s0  }
0x8b: {  	[smem:$0x3FC6] =	sst s0  }
0x8c: {  	_ = 	snop  }
0x8d: {  	s0 =	sld [smem:$0x3FC9]  }
0x8e: {  	s16 =	sld [smem:$0x3FC8]  }
0x8f: {  	s2 =	sld [smem:$0x3FD0];
	(tm) =	ssettm $0x1  }
0x90: {  	s3 =	sld [smem:$0x3FFB];
	_ =	sdelay $0x3  }
0x91: {  	_ =	strace s3  }
0x92: {  	s3 =	sld [smem:$0x3FFC];
	_ =	sdelay $0x3  }
0x93: {  	_ =	strace s3  }
0x94: {  	s3 =	sld [smem:$0x3FFD];
	_ =	sdelay $0x3  }
0x95: {  	_ =	strace s3  }
0x96: {  	_ =	strace $0x8FFFFFFF  }
0x97: {  	s17 =	sld [smem:$0x3FDB];
	_ =	sdelay $0x1  }
0x98: {  	s4 =	simm.s32 $_scs_section_size  }
0x99: {  	s5 =	simm.s32 $_size__tile_overlayer_lowered;
	s6 =	simm.s32 $_tile_overlayer_lowered  }
0x9a: {  	s20 =	simm.s32 $0x1BFF;
	s19 =	sshll.u32 s6, $0x1;
	s3 =	sadd.s32 s4, s17  }
0x9b: {  	s7 =	simm.s32 $0x0;
	s18 =	sshll.u32 s5, $0x1;
	s5 =	sadd.s32 s19, s3  }
0x9c: {  	[timem:s7], [sflag:s20] =	dma.local [hbm:s5], s18  }
0x9d: {  	_ =	swait.ge [sflag:s20], s18  }
0x9e: {  	s4 =	ssub.s32 $0x0, s18;
	[sflag:s20] =	ssyncset.done $0x0  }
0x9f: {  	[sflag:s20] =	ssyncadd.s32 s4;
	_ =	sdelay $0x1  }
0xa0: {  	s21 =	simm.s32 $0x1B8B  }
0xa1: {  	_ =	swait.ge [sflag:s21], $0x1  }
0xa2: {  	[sflag:s21] =	ssyncset.done $0x0  }
0xa3: {  	s23 =	simm.s32 $0x1B8E;
	s22 =	sld [smem:$0x3FFE];
	[sflag:s21] =	ssyncadd.s32 $0xFFFFFFFF  }
0xa4: {  	s24 =	simm.s32 $execute0_lowered;
	[smem:$0x3FD2] =	sst s23  }
0xa5: {  	s5 =	sshll.u32 s24, $0x1;
	_ =	strace $0x80000046;
	[dreg:$0x1] =	wrdreg $0xFFFFFFFF  }
0xa6: {  	s25 =	simm.s32 $_size_execute0_lowered;
	s3 =	sadd.s32 s3, s5;
	[dreg:$0x0] =	wrdreg $0x0  }
0xa7: {  	s5 =	sshll.u32 s25, $0x1;
	[dreg:$0x2] =	wrdreg s3  }
0xa8: {  	[dreg:$0x3] =	wrdreg s5  }
0xa9: {  	[dreg:$0x4] =	wrdreg $0xC0  }
0xaa: {  	_ =	task [dreg:s7], $0x5FFFF  }
0xab: {  	[dreg:$0x1] =	wrdreg $0xFFFFFFFF  }
0xac: {  	[dreg:$0x0] =	wrdreg $0x60  }
0xad: {  	[dreg:$0x2] =	wrdreg s0  }
0xae: {  	[dreg:$0x3] =	wrdreg s22  }
0xaf: {  	[dreg:$0x4] =	wrdreg s16  }
0xb0: {  	[dreg:$0x5] =	wrdreg s2  }
0xb1: {  	[dreg:$0x6] =	wrdreg $0x9  }
0xb2: {  	_ =	task.clear_ibuf [dreg:s7], $0x7FFFF;
	_ =	strace $0x90000046  }
0xb3: {  	s26 =	simm.s32 $0x9;
	_ =	strace $0x80000048  }
0xb4: {  	_ =	swait.ge [sflag:s26], $0x1  }
0xb5: {  	[sflag:s26] =	ssyncadd.s32 $0xFFFFFFFF  }
0xb6: {  	_ =	strace $0x90000048  }
0xb7: {  	_ =	sfence  }
0xb8: {  	s28 =	sld [smem:$0x0];
	_ =	sdelay $0x1  }
0xb9: {  	s29 =	srdreg.scid  }
0xba: {  	s30 =	sshll.u32 s29, $0xD;
	s31 =	sshrl.u32 s29, $0x2  }
0xbb: {  	s1 =	sand.u32 $0x1, s29;
	s2 =	sand.u32 $0x4000, s30;
	s0 =	sadd.s32 s31, s28  }
0xbc: {  	s1 =	sor.u32 s2, s1;
	s0 =	sshll.u32 s0, $0x11  }
0xbd: {  	s0 =	sor.u32 s0, s1  }
0xbe: {  	s0 =	sadd.s32 $0x8F2B, s0  }
0xbf: {  	[sflag:s0] =	ssyncadd.remote.s32 $0x1  }
0xc0: {  	_ =	sfence.sel $0xFFFF  }
0xc1: {  	[dreg:$0x0] =	wrdreg $0xFFFFFFFF;
	(pc) =	sbr.abs _section_cstart, $3  }
0xc2: {  	[dreg:$0x1] =	wrdreg $0xFFFFFFFF  }
0xc3: {  	_ =	task.clear_ibuf [dreg:s7], $0x2FFFF;
	_ =	strace $0x9FFFFFFF  }
0xc4: {  	(tm) =	ssettm $0x7FFFFFFF  }
0xc5: {  	_ =	shalt  }
tec
execute0_lowered:
.L_overlay_start_1:
0x0: {  	(tag) =	ssettag $0x1  }
0x1: {  	s1 =	stileid.u32  }
0x2: {  	s5 =	rddreg [dreg:$0x0];
	p0 =	sgt.u32 s1, $0x3  }
.Ltmp0:
0x3: {  	s6 =	rddreg [dreg:$0x1];
	(pc) =	sbr.rel @p0 .LBB2_2-.Ltmp0, $4  }
0x4: {  	s4 =	rddreg [dreg:$0x2]  }
0x5: {  	s3 =	rddreg [dreg:$0x3];
	s2 =	simm.s32 $0x0  }
0x6: {  	[smem:$0x7FF] =	sst s2  }
0x7: {  	s0 =	rddreg [dreg:$0x4];
	_ =	strace $0x80000047  }
0x8: {  	[tilespmem:s2], [sflag:$0x1] =	stream.linear.gather [hbm4b:s5+s2], $0x2, $0x38;
	[tilespmem:$0x600] =	vst v63  }
0x9: {  	s22 =	sadd.s32 $0x600, s6;
	s23 =	simm.s32 $0x80;
	s24 =	simm.s32 $0x1  }
0xa: {  	[tilespmem:s23], [sflag:$0x1] =	stream.linear.gather [hbm4b:s22+s2], $0x300, $0x38;
	[tilespmem:$0x600] =	vst v63  }
0xb: {  	_ =	swait.ge [sflag:s24], $0x2  }
0xc: {  	[sflag:s24] =	ssyncset.done $0x0  }
0xd: {  	[sflag:s24] =	ssyncadd.s32 $0xFFFFFFFE  }
0xe: {  	_ =	swait.ge [sflag:s24], $0x300  }
0xf: {  	[sflag:s24] =	ssyncset.done $0x0  }
0x10: {  	[sflag:s24] =	ssyncadd.s32 $0xFFFFFD00  }
0x11: {  	v0 =	vld [tilespmem:$0x0]  }
0x12: {  	vm0 =	vcmask $0x700;
	v2 =	vimm.f32 $0.0e+00  }
0x13: {  	v3 =	vimm.f32 $1.000000000e+00;
	vm1 =	vcmask $0x1710;
	v2 =	vsel vm0, $0x3F800000, v2  }
0x14: {  	vm8 =	vcmask $0x2720;
	v4 =	vsel vm0, $0x0, v3;
	v2 =	vsel vm1, $0x3F800000, v2  }
0x15: {  	vm9 =	vcmask $0x3730;
	v4 =	vsel vm1, $0x0, v4;
	v2 =	vsel vm8, $0x3F800000, v2  }
0x16: {  	s25 =	sshll.u32 s1, $0x7;
	v4 =	vsel vm8, $0x0, v4;
	v5 =	vld [tilespmem:$0x280];
	v1 =	vbroadcast v0, $0x0;
	v0 =	vbroadcast v0, $0x1  }
0x17: {  	v2 =	vsel vm9, $0x3F800000, v2;
	v4 =	vsel vm9, $0x0, v4;
	v6 =	vld [tilespmem:s25+$0x80]  }
0x18: {  	v7 =	vld [tilespmem:$0x300];
	v2 =	vmul.f32 v2, v1;
	v4 =	vmul.f32 v4, v0;
	_ =	sdelay $0x1  }
0x19: {  	v2 =	vadd.f32 v4, v2;
	_ =	sdelay $0x1  }
0x1a: {  	v4 =	vmul.f32 v2, v5;
	v36 =	vmul.f32 v6, v2  }
0x1b: {  	v2 =	vmul.f32 v2, v7  }
0x1c: {  	v37 =	vtrunc.f32 v4;
	v8 =	vtrunc.f32 v36  }
0x1d: {  	v9 =	vtrunc.f32 v2;
	v8 =	vcvt.f32.s32 v8  }
0x1e: {  	v7 =	vcvt.f32.s32 v37;
	v9 =	vcvt.f32.s32 v9  }
0x1f: {  	v10 =	vcvt.s32.f32 v8  }
0x20: {  	s26 =	sshll.u32 s1, $0x2;
	v42 =	vlaneseq.u32;
	v11 =	vcvt.s32.f32 v7;
	v12 =	vcvt.s32.f32 v9  }
0x21: {  	v38 =	vmov s26;
	v3 =	vand.u32 $0x7FFFFFFF, v3;
	v5 =	vsub.f32 v36, v10  }
0x22: {  	v43 =	vshrl.u32 v42, $0x2;
	v4 =	vsub.f32 v4, v11;
	v2 =	vsub.f32 v2, v12  }
0x23: {  	v39 =	vand.u32 $0x80000000, v5;
	vm10 =	vlt.f32 v5, $0.0e+00;
	vm11 =	vgt.f32 v5, $0.0e+00  }
0x24: {  	v40 =	vand.u32 $0x80000000, v4;
	vm12 =	vlt.f32 v4, $0.0e+00;
	vm13 =	vgt.f32 v4, $0.0e+00  }
0x25: {  	v41 =	vand.u32 $0x80000000, v2;
	vm14 =	vlt.f32 v2, $0.0e+00;
	vm15 =	vgt.f32 v2, $0.0e+00  }
0x26: {  	vm0 =	vmor vm11, vm10;
	v11 =	vor.u32 v39, v3;
	v12 =	vor.u32 v40, v3  }
0x27: {  	v3 =	vor.u32 v41, v3;
	v5 =	vsel vm0, v11, v5;
	vm0 =	vmor vm13, vm12  }
0x28: {  	v5 =	vtrunc.f32 v5;
	v4 =	vsel vm0, v12, v4;
	vm0 =	vmor vm15, vm14  }
0x29: {  	v5 =	vcvt.f32.s32 v5;
	v4 =	vtrunc.f32 v4;
	v2 =	vsel vm0, v3, v2  }
0x2a: {  	v50 =	vand.u32 $0x1, v42;
	v45 =	vcvt.f32.s32 v4;
	v2 =	vtrunc.f32 v2  }
0x2b: {  	v5 =	vadd.s32 v8, v5;
	v8 =	vmul.u32 $0x80000, v43;
	v2 =	vcvt.f32.s32 v2  }
0x2c: {  	v49 =	vmul.u32 $0x9E3779B1, v9;
	v10 =	vshll.u32 v38, $0x13;
	v44 =	vmul.u32 $0x779B1, v5  }
0x2d: {  	v3 =	vadd.s32 v7, v45;
	v47 =	vor.u32 v8, v10;
	v2 =	vadd.s32 v9, v2  }
0x2e: {  	v9 =	vmul.u32 $0x80, v50;
	v3 =	vxor.u32 v49, v3;
	v46 =	vxor.u32 v5, v44  }
0x2f: {  	v51 =	vand.u32 $0x7FF80, v3;
	v2 =	vmul.u32 $0x779B1, v2;
	v48 =	vand.u32 $0x7FF80, v46  }
0x30: {  	v3 =	vand.u32 $0x7F, v3;
	v4 =	vand.u32 $0x7F, v46;
	v8 =	vor.u32 v47, v48  }
0x31: {  	v2 =	vxor.u32 v7, v2;
	v7 =	vxor.u32 v7, v49;
	v8 =	vshll.u32 v8, $0x1  }
0x32: {  	v52 =	vand.u32 $0x7FF80, v2;
	v10 =	vand.u32 $0x7FF80, v7;
	v2 =	vand.u32 $0x7F, v2  }
0x33: {  	v7 =	vand.u32 $0x7F, v7;
	v4 =	vor.u32 v4, v8;
	v8 =	vor.u32 v47, v51  }
0x34: {  	v5 =	vor.u32 v47, v10;
	v4 =	vor.u32 v9, v4;
	v8 =	vshll.u32 v8, $0x1  }
0x35: {  	v5 =	vshll.u32 v5, $0x1;
	v3 =	vor.u32 v3, v8;
	v8 =	vor.u32 v47, v52  }
0x36: {  	[tilespmem:$0x480] =	vst v4;
	v53 =	vor.u32 v7, v5;
	v3 =	vor.u32 v9, v3;
	v8 =	vshll.u32 v8, $0x1  }
0x37: {  	v54 =	vor.u32 v9, v53;
	v2 =	vor.u32 v2, v8;
	[tilespmem:$0x490] =	vst v3  }
0x38: {  	[tilespmem:$0x4B0] =	vst v54;
	v2 =	vor.u32 v9, v2  }
0x39: {  	s28 =	simm.s32 $0x40;
	s7 =	simm.s32 $0x480;
	s8 =	simm.s32 $0x500;
	[tilespmem:$0x4A0] =	vst v2  }
0x3a: {  	v1 =	vmul.f32 v6, v1;
	[tilespmem:s8], [sflag:$0x1] =	stream.indirect.gather [hbm4b:s4+s28], $0x1, s7, s28, $0xb8;
	[tilespmem:$0x600] =	vst v63  }
0x3b: {  	_ =	swait.ge [sflag:s24], $0x40  }
0x3c: {  	v55 =	vtrunc.f32 v1;
	[sflag:s24] =	ssyncset.done $0x0  }
0x3d: {  	v2 =	vcvt.f32.s32 v55;
	[sflag:s24] =	ssyncadd.s32 $0xFFFFFFC0  }
0x3e: {  	v0 =	vmul.f32 v6, v0;
	v56 =	vld [tilespmem:$0x500]  }
0x3f: {  	v2 =	vcvt.s32.f32 v2;
	v57 =	vld [tilespmem:$0x510]  }
0x40: {  	v59 =	vtrunc.f32 v0;
	v58 =	vld [tilespmem:$0x530]  }
0x41: {  	v1 =	vsub.f32 v1, v2;
	v2 =	vcvt.f32.s32 v59;
	v60 =	vld [tilespmem:$0x520];
	_ =	sdelay $0x1  }
0x42: {  	v61 =	vsub.f32 $1.000000000e+00, v1;
	v2 =	vcvt.s32.f32 v2;
	_ =	sdelay $0x1  }
0x43: {  	v0 =	vsub.f32 v0, v2;
	v3 =	vmul.f32 v56, v1;
	v5 =	vmul.f32 v58, v61  }
0x44: {  	v1 =	vmul.f32 v57, v1;
	v62 =	vmul.f32 v60, v61  }
0x45: {  	v63 =	vsub.f32 $1.000000000e+00, v0  }
0x46: {  	v3 =	vadd.f32 v5, v3;
	v1 =	vadd.f32 v62, v1;
	_ =	sdelay $0x1  }
0x47: {  	v0 =	vmul.f32 v3, v0;
	v1 =	vmul.f32 v1, v63;
	_ =	sdelay $0x1  }
0x48: {  	v0 =	vadd.f32 v0, v1  }
0x49: {  	s29 =	sshll.u32 s1, $0x1  }
0x4a: {  	s30 =	simm.s32 $0x580;
	s31 =	simm.s32 $0x2;
	s3 =	sadd.s32 s3, s29;
	[tilespmem:$0x580] =	vst v0  }
0x4b: {  	[hbm4b:s3+s2] =	stream.linear.scatter [tilespmem:s30], [sflag:$0x2], $0x10, $0x38;
	[tilespmem:$0x600] =	vst v63  }
0x4c: {  	_ =	swait.ge [sflag:s31], $0x10  }
0x4d: {  	[sflag:s31] =	ssyncset.done $0x0  }
0x4e: {  	[sflag:s31] =	ssyncadd.s32 $0xFFFFFFF0  }
.LBB2_2:
0x4f: {  	_ =	sfence.sel $0x180000  }
0x50: {  	[bflag:$0x0] =	sbarrier.arrive $0xFFFF  }
0x51: {  	p0 =	sne.s32 s1, $0x0;
	_ =	strace $0x90000047  }
0x52: {  	s0 =	sadd.s32 @!p0 $0x100000, s0;
	[bflag:$0x2] =	sbarrier.arrive $0xFFFF  }
0x53: {  	[sflag:s0] =	ssyncadd.tile.s32 @!p0 $0x1;
	_ =	shalt  }
.Lfunc_end2:
_tile_overlayer_lowered:
.L_overlay_start_2:
0x54: {  	(tag) =	ssettag $0x2  }
0x55: {  	s0 =	rddreg [dreg:$0x0];
	s2 =	stileid.u32  }
0x56: {  	s1 =	rddreg [dreg:$0x1];
	p0 =	sne.s32 s2, $0x0  }
0x57: {  	s3 =	rddreg [dreg:$0x2];
	[bflag:$0x3] =	sbarrier.arrive $0xFFFF;
	s2 =	simm.s32 @!p0 $0x1C02  }
0x58: {  	[timem:s3], [sflag:s2] =	dma.local @!p0 [hbm:s0], s1  }
0x59: {  	s0 =	simm.s32 @!p0 $0x2  }
0x5a: {  	_ =	swait.ge @!p0 [sflag:s0], s1  }
0x5b: {  	s1 =	ssub.s32 @!p0 $0x0, s1;
	[sflag:s0] =	ssyncset.done @!p0 $0x0  }
0x5c: {  	[sflag:s0] =	ssyncadd.s32 @!p0 s1  }
0x5d: {  	[bflag:$0x3] =	sbarrier.arrive $0xFFFF  }
0x5e: {  	_ =	shalt  }

</sc_bundles>
